<compile_context>
chip_gen: v7x
topology: tpu7x:2x2x1
jax: 0.10.2.dev20260603
libtpu: 0.0.44.dev20260713+nightly
codegen_flags: <defaults>
</compile_context>

<pallas_src>
import functools

import jax
import jax.numpy as jnp
from jax import lax
from jax.experimental import pallas as pl
from jax.experimental.pallas import tpu as pltpu
from jax.experimental.pallas import tpu_sc as plsc

B, H, W = 32, 1024, 1024
P = 128
L = 16
LANES = 128
SUBL = 8


def kernel(x, probe_x, probe_y):
    n_tile_rows = B * H // SUBL
    xg = (
        x.reshape(n_tile_rows, SUBL, W // LANES, LANES)
        .transpose(0, 2, 1, 3)
        .reshape(B * H * W)
    )
    mesh = plsc.VectorSubcoreMesh(
        core_axis_name="c", subcore_axis_name="s", num_cores=1
    )

    @functools.partial(
        pl.kernel,
        mesh=mesh,
        out_type=jax.ShapeDtypeStruct((B, P), jnp.float32),
        scratch_types=[
            pltpu.VMEM((P,), jnp.int32),
            pltpu.VMEM((P,), jnp.int32),
            pltpu.VMEM((2 * P,), jnp.int32),
            pltpu.VMEM((2, P), jnp.float32),
            pltpu.SemaphoreType.DMA,
            pltpu.SemaphoreType.DMA,
            pltpu.SemaphoreType.DMA,
        ],
    )
    def probe_gather(x_hbm, px_hbm, py_hbm, out_hbm, px_v, py_v, row_v, val_v,
                     sem_px, sem_py, sem_g):
        wid = lax.axis_index("s")
        cp_px = pltpu.async_copy(px_hbm, px_v, sem_px)
        cp_py = pltpu.async_copy(py_hbm, py_v, sem_py)
        cp_px.wait()
        cp_py.wait()
        base = 2 * wid * (H * W)
        for i in range(P // L):
            sl = pl.ds(i * L, L)
            px, py = px_v[sl], py_v[sl]
            row_v[sl] = (
                base
                + (px >> 3) * (SUBL * W)
                + (py >> 7) * (SUBL * LANES)
                + (px & 7) * LANES
                + (py & 127)
            )
        cp0 = pltpu.async_copy(
            x_hbm.at[row_v.at[pl.ds(0, P)]], val_v.at[0], sem_g
        )
        for i in range(P // L):
            sl = pl.ds(i * L, L)
            row_v[pl.ds(P + i * L, L)] = row_v[sl] + (H * W)
        cp1 = pltpu.async_copy(
            x_hbm.at[row_v.at[pl.ds(P, P)]], val_v.at[1], sem_px
        )
        cp0.wait()
        cp1.wait()
        pltpu.sync_copy(val_v, out_hbm.at[pl.ds(2 * wid, 2)])

    return probe_gather(xg, probe_x, probe_y)

# --- scband reference (transcript-rebuilt; emitter-appended) ---
"""Pipeline reference for scband-wave-probe-39728447488447 (READ-ONLY COPY).

The authoritative reference and input builder live on the scoring server;
editing this copy changes nothing except your own understanding.
"""

import jax, jax.numpy as jnp
import numpy as np


def setup_inputs(seed: int = 0) -> dict:
    key = jax.random.key(seed)
    x = jax.random.normal(key, (32, 1024, 1024), dtype=jnp.float32)
    probe_x = (jnp.arange(128, dtype=jnp.int32) * 8).astype(jnp.int32)
    probe_y = (jnp.arange(128, dtype=jnp.int32) * 7 + 3).astype(jnp.int32)
    return {"x": x, "probe_x": probe_x, "probe_y": probe_y}


def reference(x, probe_x, probe_y):
    # WaveProbe.forward: return x[:, self.x, self.y]
    # Advanced indexing gather: output [B, n_probes]
    return x[:, probe_x, probe_y]

if __name__ == "__main__":
    import jax
    _d = setup_inputs()
    print(jax.jit(kernel)(*tuple(_d.values())))

</pallas_src>

<mosaic_0001>
#map = affine_map<(d0, d1) -> (0)>
#map1 = affine_map<(d0, d1) -> (0, 0)>
module attributes {stable_mosaic.version = 14 : i64} {
  func.func @probe_gather(%arg0: i32, %arg1: i32, %arg2: memref<33554432xf32, #tpu.memory_space<hbm>>, %arg3: memref<128xi32, #tpu.memory_space<hbm>>, %arg4: memref<128xi32, #tpu.memory_space<hbm>>, %arg5: memref<32x128xf32, #tpu.memory_space<hbm>>, %arg6: memref<128xi32, #tpu.memory_space<vmem>>, %arg7: memref<128xi32, #tpu.memory_space<vmem>>, %arg8: memref<256xi32, #tpu.memory_space<vmem>>, %arg9: memref<2x128xf32, #tpu.memory_space<vmem>>, %arg10: memref<!tpu.dma_semaphore, #tpu.memory_space<semaphore_mem>>, %arg11: memref<!tpu.dma_semaphore, #tpu.memory_space<semaphore_mem>>, %arg12: memref<!tpu.dma_semaphore, #tpu.memory_space<semaphore_mem>>) attributes {dimension_semantics = [#tpu.dimension_semantics<core_parallel>, #tpu.dimension_semantics<subcore_parallel>], iteration_bounds = array<i64: 1, 16>, scalar_prefetch = 0 : i64, scratch_operands = 7 : i64, tpu.core_type = #tpu.core_type<sc_vector_subcore>, window_params = [{transform_indices = #map}, {transform_indices = #map}, {transform_indices = #map}, {transform_indices = #map1}]} {
    tpu.enqueue_dma source(%arg3 : memref<128xi32, #tpu.memory_space<hbm>>) target(%arg6 : memref<128xi32, #tpu.memory_space<vmem>>) target_semaphore(%arg10 : memref<!tpu.dma_semaphore, #tpu.memory_space<semaphore_mem>>)
    tpu.enqueue_dma source(%arg4 : memref<128xi32, #tpu.memory_space<hbm>>) target(%arg7 : memref<128xi32, #tpu.memory_space<vmem>>) target_semaphore(%arg11 : memref<!tpu.dma_semaphore, #tpu.memory_space<semaphore_mem>>)
    tpu.wait_dma2 semaphore(%arg10 : memref<!tpu.dma_semaphore, #tpu.memory_space<semaphore_mem>>) src(%arg3 : memref<128xi32, #tpu.memory_space<hbm>>) dst(%arg6 : memref<128xi32, #tpu.memory_space<vmem>>)
    tpu.wait_dma2 semaphore(%arg11 : memref<!tpu.dma_semaphore, #tpu.memory_space<semaphore_mem>>) src(%arg4 : memref<128xi32, #tpu.memory_space<hbm>>) dst(%arg7 : memref<128xi32, #tpu.memory_space<vmem>>)
    %mul3A = arith.constant 2 : i32
    %mul3A_0 = arith.muli %mul3A, %arg1 : i32
    %mul3A_1 = arith.constant 1048576 : i32
    %mul3A_2 = arith.muli %mul3A_0, %mul3A_1 : i32
    %get3A = arith.constant 0 : index
    %get3A_3 = tpu.vector_load %arg6[%get3A] {strides = array<i32>} : memref<128xi32, #tpu.memory_space<vmem>>, vector<16xi32>,
    %get3A_4 = vector.shape_cast %get3A_3 : vector<16xi32> to vector<16xi32>
    %get3A_5 = arith.constant 0 : index
    %get3A_6 = tpu.vector_load %arg7[%get3A_5] {strides = array<i32>} : memref<128xi32, #tpu.memory_space<vmem>>, vector<16xi32>,
    %get3A_7 = vector.shape_cast %get3A_6 : vector<16xi32> to vector<16xi32>
    %shift_right_arithmetic3A = arith.constant 3 : i32
    %shift_right_arithmetic3A_8 = vector.broadcast %shift_right_arithmetic3A : i32 to vector<16xi32>
    %shift_right_arithmetic3A_9 = arith.shrsi %get3A_4, %shift_right_arithmetic3A_8 : vector<16xi32>
    %mul3A_10 = arith.constant 8192 : i32
    %mul3A_11 = vector.broadcast %mul3A_10 : i32 to vector<16xi32>
    %mul3A_12 = arith.muli %shift_right_arithmetic3A_9, %mul3A_11 : vector<16xi32>
    %add3A = vector.broadcast %mul3A_2 : i32 to vector<16xi32>
    %add3A_13 = arith.addi %add3A, %mul3A_12 : vector<16xi32>
    %shift_right_arithmetic3A_14 = arith.constant 7 : i32
    %shift_right_arithmetic3A_15 = vector.broadcast %shift_right_arithmetic3A_14 : i32 to vector<16xi32>
    %shift_right_arithmetic3A_16 = arith.shrsi %get3A_7, %shift_right_arithmetic3A_15 : vector<16xi32>
    %mul3A_17 = arith.constant 1024 : i32
    %mul3A_18 = vector.broadcast %mul3A_17 : i32 to vector<16xi32>
    %mul3A_19 = arith.muli %shift_right_arithmetic3A_16, %mul3A_18 : vector<16xi32>
    %add3A_20 = arith.addi %add3A_13, %mul3A_19 : vector<16xi32>
    %and3A = arith.constant 7 : i32
    %and3A_21 = vector.broadcast %and3A : i32 to vector<16xi32>
    %and3A_22 = arith.andi %get3A_4, %and3A_21 : vector<16xi32>
    %mul3A_23 = arith.constant 128 : i32
    %mul3A_24 = vector.broadcast %mul3A_23 : i32 to vector<16xi32>
    %mul3A_25 = arith.muli %and3A_22, %mul3A_24 : vector<16xi32>
    %add3A_26 = arith.addi %add3A_20, %mul3A_25 : vector<16xi32>
    %and3A_27 = arith.constant 127 : i32
    %and3A_28 = vector.broadcast %and3A_27 : i32 to vector<16xi32>
    %and3A_29 = arith.andi %get3A_7, %and3A_28 : vector<16xi32>
    %add3A_30 = arith.addi %add3A_26, %and3A_29 : vector<16xi32>
    %swap3A = arith.constant 0 : index
    %swap3A_31 = tpu.vector_load %arg8[%swap3A] {strides = array<i32>} : memref<256xi32, #tpu.memory_space<vmem>>, vector<16xi32>,
    %swap3A_32 = vector.shape_cast %swap3A_31 : vector<16xi32> to vector<16xi32>
    %swap3A_33 = vector.shape_cast %add3A_30 : vector<16xi32> to vector<16xi32>
    tpu.vector_store %arg8[%swap3A], %swap3A_33 {strides = array<i32>} : memref<256xi32, #tpu.memory_space<vmem>>, vector<16xi32>,
    %get3A_34 = arith.constant 16 : index
    %get3A_35 = tpu.vector_load %arg6[%get3A_34] {strides = array<i32>} : memref<128xi32, #tpu.memory_space<vmem>>, vector<16xi32>,
    %get3A_36 = vector.shape_cast %get3A_35 : vector<16xi32> to vector<16xi32>
    %get3A_37 = arith.constant 16 : index
    %get3A_38 = tpu.vector_load %arg7[%get3A_37] {strides = array<i32>} : memref<128xi32, #tpu.memory_space<vmem>>, vector<16xi32>,
    %get3A_39 = vector.shape_cast %get3A_38 : vector<16xi32> to vector<16xi32>
    %shift_right_arithmetic3A_40 = arith.constant 3 : i32
    %shift_right_arithmetic3A_41 = vector.broadcast %shift_right_arithmetic3A_40 : i32 to vector<16xi32>
    %shift_right_arithmetic3A_42 = arith.shrsi %get3A_36, %shift_right_arithmetic3A_41 : vector<16xi32>
    %mul3A_43 = arith.constant 8192 : i32
    %mul3A_44 = vector.broadcast %mul3A_43 : i32 to vector<16xi32>
    %mul3A_45 = arith.muli %shift_right_arithmetic3A_42, %mul3A_44 : vector<16xi32>
    %add3A_46 = vector.broadcast %mul3A_2 : i32 to vector<16xi32>
    %add3A_47 = arith.addi %add3A_46, %mul3A_45 : vector<16xi32>
    %shift_right_arithmetic3A_48 = arith.constant 7 : i32
    %shift_right_arithmetic3A_49 = vector.broadcast %shift_right_arithmetic3A_48 : i32 to vector<16xi32>
    %shift_right_arithmetic3A_50 = arith.shrsi %get3A_39, %shift_right_arithmetic3A_49 : vector<16xi32>
    %mul3A_51 = arith.constant 1024 : i32
    %mul3A_52 = vector.broadcast %mul3A_51 : i32 to vector<16xi32>
    %mul3A_53 = arith.muli %shift_right_arithmetic3A_50, %mul3A_52 : vector<16xi32>
    %add3A_54 = arith.addi %add3A_47, %mul3A_53 : vector<16xi32>
    %and3A_55 = arith.constant 7 : i32
    %and3A_56 = vector.broadcast %and3A_55 : i32 to vector<16xi32>
    %and3A_57 = arith.andi %get3A_36, %and3A_56 : vector<16xi32>
    %mul3A_58 = arith.constant 128 : i32
    %mul3A_59 = vector.broadcast %mul3A_58 : i32 to vector<16xi32>
    %mul3A_60 = arith.muli %and3A_57, %mul3A_59 : vector<16xi32>
    %add3A_61 = arith.addi %add3A_54, %mul3A_60 : vector<16xi32>
    %and3A_62 = arith.constant 127 : i32
    %and3A_63 = vector.broadcast %and3A_62 : i32 to vector<16xi32>
    %and3A_64 = arith.andi %get3A_39, %and3A_63 : vector<16xi32>
    %add3A_65 = arith.addi %add3A_61, %and3A_64 : vector<16xi32>
    %swap3A_66 = arith.constant 16 : index
    %swap3A_67 = tpu.vector_load %arg8[%swap3A_66] {strides = array<i32>} : memref<256xi32, #tpu.memory_space<vmem>>, vector<16xi32>,
    %swap3A_68 = vector.shape_cast %swap3A_67 : vector<16xi32> to vector<16xi32>
    %swap3A_69 = vector.shape_cast %add3A_65 : vector<16xi32> to vector<16xi32>
    tpu.vector_store %arg8[%swap3A_66], %swap3A_69 {strides = array<i32>} : memref<256xi32, #tpu.memory_space<vmem>>, vector<16xi32>,
    %get3A_70 = arith.constant 32 : index
    %get3A_71 = tpu.vector_load %arg6[%get3A_70] {strides = array<i32>} : memref<128xi32, #tpu.memory_space<vmem>>, vector<16xi32>,
    %get3A_72 = vector.shape_cast %get3A_71 : vector<16xi32> to vector<16xi32>
    %get3A_73 = arith.constant 32 : index
    %get3A_74 = tpu.vector_load %arg7[%get3A_73] {strides = array<i32>} : memref<128xi32, #tpu.memory_space<vmem>>, vector<16xi32>,
    %get3A_75 = vector.shape_cast %get3A_74 : vector<16xi32> to vector<16xi32>
    %shift_right_arithmetic3A_76 = arith.constant 3 : i32
    %shift_right_arithmetic3A_77 = vector.broadcast %shift_right_arithmetic3A_76 : i32 to vector<16xi32>
    %shift_right_arithmetic3A_78 = arith.shrsi %get3A_72, %shift_right_arithmetic3A_77 : vector<16xi32>
    %mul3A_79 = arith.constant 8192 : i32
    %mul3A_80 = vector.broadcast %mul3A_79 : i32 to vector<16xi32>
    %mul3A_81 = arith.muli %shift_right_arithmetic3A_78, %mul3A_80 : vector<16xi32>
    %add3A_82 = vector.broadcast %mul3A_2 : i32 to vector<16xi32>
    %add3A_83 = arith.addi %add3A_82, %mul3A_81 : vector<16xi32>
    %shift_right_arithmetic3A_84 = arith.constant 7 : i32
    %shift_right_arithmetic3A_85 = vector.broadcast %shift_right_arithmetic3A_84 : i32 to vector<16xi32>
    %shift_right_arithmetic3A_86 = arith.shrsi %get3A_75, %shift_right_arithmetic3A_85 : vector<16xi32>
    %mul3A_87 = arith.constant 1024 : i32
    %mul3A_88 = vector.broadcast %mul3A_87 : i32 to vector<16xi32>
    %mul3A_89 = arith.muli %shift_right_arithmetic3A_86, %mul3A_88 : vector<16xi32>
    %add3A_90 = arith.addi %add3A_83, %mul3A_89 : vector<16xi32>
    %and3A_91 = arith.constant 7 : i32
    %and3A_92 = vector.broadcast %and3A_91 : i32 to vector<16xi32>
    %and3A_93 = arith.andi %get3A_72, %and3A_92 : vector<16xi32>
    %mul3A_94 = arith.constant 128 : i32
    %mul3A_95 = vector.broadcast %mul3A_94 : i32 to vector<16xi32>
    %mul3A_96 = arith.muli %and3A_93, %mul3A_95 : vector<16xi32>
    %add3A_97 = arith.addi %add3A_90, %mul3A_96 : vector<16xi32>
    %and3A_98 = arith.constant 127 : i32
    %and3A_99 = vector.broadcast %and3A_98 : i32 to vector<16xi32>
    %and3A_100 = arith.andi %get3A_75, %and3A_99 : vector<16xi32>
    %add3A_101 = arith.addi %add3A_97, %and3A_100 : vector<16xi32>
    %swap3A_102 = arith.constant 32 : index
    %swap3A_103 = tpu.vector_load %arg8[%swap3A_102] {strides = array<i32>} : memref<256xi32, #tpu.memory_space<vmem>>, vector<16xi32>,
    %swap3A_104 = vector.shape_cast %swap3A_103 : vector<16xi32> to vector<16xi32>
    %swap3A_105 = vector.shape_cast %add3A_101 : vector<16xi32> to vector<16xi32>
    tpu.vector_store %arg8[%swap3A_102], %swap3A_105 {strides = array<i32>} : memref<256xi32, #tpu.memory_space<vmem>>, vector<16xi32>,
    %get3A_106 = arith.constant 48 : index
    %get3A_107 = tpu.vector_load %arg6[%get3A_106] {strides = array<i32>} : memref<128xi32, #tpu.memory_space<vmem>>, vector<16xi32>,
    %get3A_108 = vector.shape_cast %get3A_107 : vector<16xi32> to vector<16xi32>
    %get3A_109 = arith.constant 48 : index
    %get3A_110 = tpu.vector_load %arg7[%get3A_109] {strides = array<i32>} : memref<128xi32, #tpu.memory_space<vmem>>, vector<16xi32>,
    %get3A_111 = vector.shape_cast %get3A_110 : vector<16xi32> to vector<16xi32>
    %shift_right_arithmetic3A_112 = arith.constant 3 : i32
    %shift_right_arithmetic3A_113 = vector.broadcast %shift_right_arithmetic3A_112 : i32 to vector<16xi32>
    %shift_right_arithmetic3A_114 = arith.shrsi %get3A_108, %shift_right_arithmetic3A_113 : vector<16xi32>
    %mul3A_115 = arith.constant 8192 : i32
    %mul3A_116 = vector.broadcast %mul3A_115 : i32 to vector<16xi32>
    %mul3A_117 = arith.muli %shift_right_arithmetic3A_114, %mul3A_116 : vector<16xi32>
    %add3A_118 = vector.broadcast %mul3A_2 : i32 to vector<16xi32>
    %add3A_119 = arith.addi %add3A_118, %mul3A_117 : vector<16xi32>
    %shift_right_arithmetic3A_120 = arith.constant 7 : i32
    %shift_right_arithmetic3A_121 = vector.broadcast %shift_right_arithmetic3A_120 : i32 to vector<16xi32>
    %shift_right_arithmetic3A_122 = arith.shrsi %get3A_111, %shift_right_arithmetic3A_121 : vector<16xi32>
    %mul3A_123 = arith.constant 1024 : i32
    %mul3A_124 = vector.broadcast %mul3A_123 : i32 to vector<16xi32>
    %mul3A_125 = arith.muli %shift_right_arithmetic3A_122, %mul3A_124 : vector<16xi32>
    %add3A_126 = arith.addi %add3A_119, %mul3A_125 : vector<16xi32>
    %and3A_127 = arith.constant 7 : i32
    %and3A_128 = vector.broadcast %and3A_127 : i32 to vector<16xi32>
    %and3A_129 = arith.andi %get3A_108, %and3A_128 : vector<16xi32>
    %mul3A_130 = arith.constant 128 : i32
    %mul3A_131 = vector.broadcast %mul3A_130 : i32 to vector<16xi32>
    %mul3A_132 = arith.muli %and3A_129, %mul3A_131 : vector<16xi32>
    %add3A_133 = arith.addi %add3A_126, %mul3A_132 : vector<16xi32>
    %and3A_134 = arith.constant 127 : i32
    %and3A_135 = vector.broadcast %and3A_134 : i32 to vector<16xi32>
    %and3A_136 = arith.andi %get3A_111, %and3A_135 : vector<16xi32>
    %add3A_137 = arith.addi %add3A_133, %and3A_136 : vector<16xi32>
    %swap3A_138 = arith.constant 48 : index
    %swap3A_139 = tpu.vector_load %arg8[%swap3A_138] {strides = array<i32>} : memref<256xi32, #tpu.memory_space<vmem>>, vector<16xi32>,
    %swap3A_140 = vector.shape_cast %swap3A_139 : vector<16xi32> to vector<16xi32>
    %swap3A_141 = vector.shape_cast %add3A_137 : vector<16xi32> to vector<16xi32>
    tpu.vector_store %arg8[%swap3A_138], %swap3A_141 {strides = array<i32>} : memref<256xi32, #tpu.memory_space<vmem>>, vector<16xi32>,
    %get3A_142 = arith.constant 64 : index
    %get3A_143 = tpu.vector_load %arg6[%get3A_142] {strides = array<i32>} : memref<128xi32, #tpu.memory_space<vmem>>, vector<16xi32>,
    %get3A_144 = vector.shape_cast %get3A_143 : vector<16xi32> to vector<16xi32>
    %get3A_145 = arith.constant 64 : index
    %get3A_146 = tpu.vector_load %arg7[%get3A_145] {strides = array<i32>} : memref<128xi32, #tpu.memory_space<vmem>>, vector<16xi32>,
    %get3A_147 = vector.shape_cast %get3A_146 : vector<16xi32> to vector<16xi32>
    %shift_right_arithmetic3A_148 = arith.constant 3 : i32
    %shift_right_arithmetic3A_149 = vector.broadcast %shift_right_arithmetic3A_148 : i32 to vector<16xi32>
    %shift_right_arithmetic3A_150 = arith.shrsi %get3A_144, %shift_right_arithmetic3A_149 : vector<16xi32>
    %mul3A_151 = arith.constant 8192 : i32
    %mul3A_152 = vector.broadcast %mul3A_151 : i32 to vector<16xi32>
    %mul3A_153 = arith.muli %shift_right_arithmetic3A_150, %mul3A_152 : vector<16xi32>
    %add3A_154 = vector.broadcast %mul3A_2 : i32 to vector<16xi32>
    %add3A_155 = arith.addi %add3A_154, %mul3A_153 : vector<16xi32>
    %shift_right_arithmetic3A_156 = arith.constant 7 : i32
    %shift_right_arithmetic3A_157 = vector.broadcast %shift_right_arithmetic3A_156 : i32 to vector<16xi32>
    %shift_right_arithmetic3A_158 = arith.shrsi %get3A_147, %shift_right_arithmetic3A_157 : vector<16xi32>
    %mul3A_159 = arith.constant 1024 : i32
    %mul3A_160 = vector.broadcast %mul3A_159 : i32 to vector<16xi32>
    %mul3A_161 = arith.muli %shift_right_arithmetic3A_158, %mul3A_160 : vector<16xi32>
    %add3A_162 = arith.addi %add3A_155, %mul3A_161 : vector<16xi32>
    %and3A_163 = arith.constant 7 : i32
    %and3A_164 = vector.broadcast %and3A_163 : i32 to vector<16xi32>
    %and3A_165 = arith.andi %get3A_144, %and3A_164 : vector<16xi32>
    %mul3A_166 = arith.constant 128 : i32
    %mul3A_167 = vector.broadcast %mul3A_166 : i32 to vector<16xi32>
    %mul3A_168 = arith.muli %and3A_165, %mul3A_167 : vector<16xi32>
    %add3A_169 = arith.addi %add3A_162, %mul3A_168 : vector<16xi32>
    %and3A_170 = arith.constant 127 : i32
    %and3A_171 = vector.broadcast %and3A_170 : i32 to vector<16xi32>
    %and3A_172 = arith.andi %get3A_147, %and3A_171 : vector<16xi32>
    %add3A_173 = arith.addi %add3A_169, %and3A_172 : vector<16xi32>
    %swap3A_174 = arith.constant 64 : index
    %swap3A_175 = tpu.vector_load %arg8[%swap3A_174] {strides = array<i32>} : memref<256xi32, #tpu.memory_space<vmem>>, vector<16xi32>,
    %swap3A_176 = vector.shape_cast %swap3A_175 : vector<16xi32> to vector<16xi32>
    %swap3A_177 = vector.shape_cast %add3A_173 : vector<16xi32> to vector<16xi32>
    tpu.vector_store %arg8[%swap3A_174], %swap3A_177 {strides = array<i32>} : memref<256xi32, #tpu.memory_space<vmem>>, vector<16xi32>,
    %get3A_178 = arith.constant 80 : index
    %get3A_179 = tpu.vector_load %arg6[%get3A_178] {strides = array<i32>} : memref<128xi32, #tpu.memory_space<vmem>>, vector<16xi32>,
    %get3A_180 = vector.shape_cast %get3A_179 : vector<16xi32> to vector<16xi32>
    %get3A_181 = arith.constant 80 : index
    %get3A_182 = tpu.vector_load %arg7[%get3A_181] {strides = array<i32>} : memref<128xi32, #tpu.memory_space<vmem>>, vector<16xi32>,
    %get3A_183 = vector.shape_cast %get3A_182 : vector<16xi32> to vector<16xi32>
    %shift_right_arithmetic3A_184 = arith.constant 3 : i32
    %shift_right_arithmetic3A_185 = vector.broadcast %shift_right_arithmetic3A_184 : i32 to vector<16xi32>
    %shift_right_arithmetic3A_186 = arith.shrsi %get3A_180, %shift_right_arithmetic3A_185 : vector<16xi32>
    %mul3A_187 = arith.constant 8192 : i32
    %mul3A_188 = vector.broadcast %mul3A_187 : i32 to vector<16xi32>
    %mul3A_189 = arith.muli %shift_right_arithmetic3A_186, %mul3A_188 : vector<16xi32>
    %add3A_190 = vector.broadcast %mul3A_2 : i32 to vector<16xi32>
    %add3A_191 = arith.addi %add3A_190, %mul3A_189 : vector<16xi32>
    %shift_right_arithmetic3A_192 = arith.constant 7 : i32
    %shift_right_arithmetic3A_193 = vector.broadcast %shift_right_arithmetic3A_192 : i32 to vector<16xi32>
    %shift_right_arithmetic3A_194 = arith.shrsi %get3A_183, %shift_right_arithmetic3A_193 : vector<16xi32>
    %mul3A_195 = arith.constant 1024 : i32
    %mul3A_196 = vector.broadcast %mul3A_195 : i32 to vector<16xi32>
    %mul3A_197 = arith.muli %shift_right_arithmetic3A_194, %mul3A_196 : vector<16xi32>
    %add3A_198 = arith.addi %add3A_191, %mul3A_197 : vector<16xi32>
    %and3A_199 = arith.constant 7 : i32
    %and3A_200 = vector.broadcast %and3A_199 : i32 to vector<16xi32>
    %and3A_201 = arith.andi %get3A_180, %and3A_200 : vector<16xi32>
    %mul3A_202 = arith.constant 128 : i32
    %mul3A_203 = vector.broadcast %mul3A_202 : i32 to vector<16xi32>
    %mul3A_204 = arith.muli %and3A_201, %mul3A_203 : vector<16xi32>
    %add3A_205 = arith.addi %add3A_198, %mul3A_204 : vector<16xi32>
    %and3A_206 = arith.constant 127 : i32
    %and3A_207 = vector.broadcast %and3A_206 : i32 to vector<16xi32>
    %and3A_208 = arith.andi %get3A_183, %and3A_207 : vector<16xi32>
    %add3A_209 = arith.addi %add3A_205, %and3A_208 : vector<16xi32>
    %swap3A_210 = arith.constant 80 : index
    %swap3A_211 = tpu.vector_load %arg8[%swap3A_210] {strides = array<i32>} : memref<256xi32, #tpu.memory_space<vmem>>, vector<16xi32>,
    %swap3A_212 = vector.shape_cast %swap3A_211 : vector<16xi32> to vector<16xi32>
    %swap3A_213 = vector.shape_cast %add3A_209 : vector<16xi32> to vector<16xi32>
    tpu.vector_store %arg8[%swap3A_210], %swap3A_213 {strides = array<i32>} : memref<256xi32, #tpu.memory_space<vmem>>, vector<16xi32>,
    %get3A_214 = arith.constant 96 : index
    %get3A_215 = tpu.vector_load %arg6[%get3A_214] {strides = array<i32>} : memref<128xi32, #tpu.memory_space<vmem>>, vector<16xi32>,
    %get3A_216 = vector.shape_cast %get3A_215 : vector<16xi32> to vector<16xi32>
    %get3A_217 = arith.constant 96 : index
    %get3A_218 = tpu.vector_load %arg7[%get3A_217] {strides = array<i32>} : memref<128xi32, #tpu.memory_space<vmem>>, vector<16xi32>,
    %get3A_219 = vector.shape_cast %get3A_218 : vector<16xi32> to vector<16xi32>
    %shift_right_arithmetic3A_220 = arith.constant 3 : i32
    %shift_right_arithmetic3A_221 = vector.broadcast %shift_right_arithmetic3A_220 : i32 to vector<16xi32>
    %shift_right_arithmetic3A_222 = arith.shrsi %get3A_216, %shift_right_arithmetic3A_221 : vector<16xi32>
    %mul3A_223 = arith.constant 8192 : i32
    %mul3A_224 = vector.broadcast %mul3A_223 : i32 to vector<16xi32>
    %mul3A_225 = arith.muli %shift_right_arithmetic3A_222, %mul3A_224 : vector<16xi32>
    %add3A_226 = vector.broadcast %mul3A_2 : i32 to vector<16xi32>
    %add3A_227 = arith.addi %add3A_226, %mul3A_225 : vector<16xi32>
    %shift_right_arithmetic3A_228 = arith.constant 7 : i32
    %shift_right_arithmetic3A_229 = vector.broadcast %shift_right_arithmetic3A_228 : i32 to vector<16xi32>
    %shift_right_arithmetic3A_230 = arith.shrsi %get3A_219, %shift_right_arithmetic3A_229 : vector<16xi32>
    %mul3A_231 = arith.constant 1024 : i32
    %mul3A_232 = vector.broadcast %mul3A_231 : i32 to vector<16xi32>
    %mul3A_233 = arith.muli %shift_right_arithmetic3A_230, %mul3A_232 : vector<16xi32>
    %add3A_234 = arith.addi %add3A_227, %mul3A_233 : vector<16xi32>
    %and3A_235 = arith.constant 7 : i32
    %and3A_236 = vector.broadcast %and3A_235 : i32 to vector<16xi32>
    %and3A_237 = arith.andi %get3A_216, %and3A_236 : vector<16xi32>
    %mul3A_238 = arith.constant 128 : i32
    %mul3A_239 = vector.broadcast %mul3A_238 : i32 to vector<16xi32>
    %mul3A_240 = arith.muli %and3A_237, %mul3A_239 : vector<16xi32>
    %add3A_241 = arith.addi %add3A_234, %mul3A_240 : vector<16xi32>
    %and3A_242 = arith.constant 127 : i32
    %and3A_243 = vector.broadcast %and3A_242 : i32 to vector<16xi32>
    %and3A_244 = arith.andi %get3A_219, %and3A_243 : vector<16xi32>
    %add3A_245 = arith.addi %add3A_241, %and3A_244 : vector<16xi32>
    %swap3A_246 = arith.constant 96 : index
    %swap3A_247 = tpu.vector_load %arg8[%swap3A_246] {strides = array<i32>} : memref<256xi32, #tpu.memory_space<vmem>>, vector<16xi32>,
    %swap3A_248 = vector.shape_cast %swap3A_247 : vector<16xi32> to vector<16xi32>
    %swap3A_249 = vector.shape_cast %add3A_245 : vector<16xi32> to vector<16xi32>
    tpu.vector_store %arg8[%swap3A_246], %swap3A_249 {strides = array<i32>} : memref<256xi32, #tpu.memory_space<vmem>>, vector<16xi32>,
    %get3A_250 = arith.constant 112 : index
    %get3A_251 = tpu.vector_load %arg6[%get3A_250] {strides = array<i32>} : memref<128xi32, #tpu.memory_space<vmem>>, vector<16xi32>,
    %get3A_252 = vector.shape_cast %get3A_251 : vector<16xi32> to vector<16xi32>
    %get3A_253 = arith.constant 112 : index
    %get3A_254 = tpu.vector_load %arg7[%get3A_253] {strides = array<i32>} : memref<128xi32, #tpu.memory_space<vmem>>, vector<16xi32>,
    %get3A_255 = vector.shape_cast %get3A_254 : vector<16xi32> to vector<16xi32>
    %shift_right_arithmetic3A_256 = arith.constant 3 : i32
    %shift_right_arithmetic3A_257 = vector.broadcast %shift_right_arithmetic3A_256 : i32 to vector<16xi32>
    %shift_right_arithmetic3A_258 = arith.shrsi %get3A_252, %shift_right_arithmetic3A_257 : vector<16xi32>
    %mul3A_259 = arith.constant 8192 : i32
    %mul3A_260 = vector.broadcast %mul3A_259 : i32 to vector<16xi32>
    %mul3A_261 = arith.muli %shift_right_arithmetic3A_258, %mul3A_260 : vector<16xi32>
    %add3A_262 = vector.broadcast %mul3A_2 : i32 to vector<16xi32>
    %add3A_263 = arith.addi %add3A_262, %mul3A_261 : vector<16xi32>
    %shift_right_arithmetic3A_264 = arith.constant 7 : i32
    %shift_right_arithmetic3A_265 = vector.broadcast %shift_right_arithmetic3A_264 : i32 to vector<16xi32>
    %shift_right_arithmetic3A_266 = arith.shrsi %get3A_255, %shift_right_arithmetic3A_265 : vector<16xi32>
    %mul3A_267 = arith.constant 1024 : i32
    %mul3A_268 = vector.broadcast %mul3A_267 : i32 to vector<16xi32>
    %mul3A_269 = arith.muli %shift_right_arithmetic3A_266, %mul3A_268 : vector<16xi32>
    %add3A_270 = arith.addi %add3A_263, %mul3A_269 : vector<16xi32>
    %and3A_271 = arith.constant 7 : i32
    %and3A_272 = vector.broadcast %and3A_271 : i32 to vector<16xi32>
    %and3A_273 = arith.andi %get3A_252, %and3A_272 : vector<16xi32>
    %mul3A_274 = arith.constant 128 : i32
    %mul3A_275 = vector.broadcast %mul3A_274 : i32 to vector<16xi32>
    %mul3A_276 = arith.muli %and3A_273, %mul3A_275 : vector<16xi32>
    %add3A_277 = arith.addi %add3A_270, %mul3A_276 : vector<16xi32>
    %and3A_278 = arith.constant 127 : i32
    %and3A_279 = vector.broadcast %and3A_278 : i32 to vector<16xi32>
    %and3A_280 = arith.andi %get3A_255, %and3A_279 : vector<16xi32>
    %add3A_281 = arith.addi %add3A_277, %and3A_280 : vector<16xi32>
    %swap3A_282 = arith.constant 112 : index
    %swap3A_283 = tpu.vector_load %arg8[%swap3A_282] {strides = array<i32>} : memref<256xi32, #tpu.memory_space<vmem>>, vector<16xi32>,
    %swap3A_284 = vector.shape_cast %swap3A_283 : vector<16xi32> to vector<16xi32>
    %swap3A_285 = vector.shape_cast %add3A_281 : vector<16xi32> to vector<16xi32>
    tpu.vector_store %arg8[%swap3A_282], %swap3A_285 {strides = array<i32>} : memref<256xi32, #tpu.memory_space<vmem>>, vector<16xi32>,
    %dma_start3A = arith.constant 0 : i32
    %dma_start3A_286 = arith.constant 0 : i32
    %dma_start3A_287 = tpu.memref_slice %arg9[%dma_start3A, %dma_start3A_286] : memref<2x128xf32, #tpu.memory_space<vmem>> -> memref<1x128xf32, #tpu.memory_space<vmem>>
    %dma_start3A_288 = tpu.memref_squeeze %dma_start3A_287 : memref<1x128xf32, #tpu.memory_space<vmem>> -> memref<128xf32, #tpu.memory_space<vmem>>
    %dma_start3A_289 = arith.constant 0 : i32
    %dma_start3A_290 = tpu.memref_slice %arg8[%dma_start3A_289] : memref<256xi32, #tpu.memory_space<vmem>> -> memref<128xi32, #tpu.memory_space<vmem>>
    %dma_start3A_291 = arith.constant 0 : i32
    %dma_start3A_292 = tpu.memref_slice %arg2[%dma_start3A_291] : memref<33554432xf32, #tpu.memory_space<hbm>> -> memref<33554432xf32, #tpu.memory_space<hbm>>
    tpu.enqueue_indirect_dma source(%dma_start3A_292 : memref<33554432xf32, #tpu.memory_space<hbm>>) target(%dma_start3A_288 : memref<128xf32, #tpu.memory_space<vmem>>) offsets(%dma_start3A_290 : memref<128xi32, #tpu.memory_space<vmem>>) semaphore(%arg12 : memref<!tpu.dma_semaphore, #tpu.memory_space<semaphore_mem>>)
    %get3A_293 = arith.constant 0 : index
    %get3A_294 = tpu.vector_load %arg8[%get3A_293] {strides = array<i32>} : memref<256xi32, #tpu.memory_space<vmem>>, vector<16xi32>,
    %get3A_295 = vector.shape_cast %get3A_294 : vector<16xi32> to vector<16xi32>
    %add3A_296 = arith.constant 1048576 : i32
    %add3A_297 = vector.broadcast %add3A_296 : i32 to vector<16xi32>
    %add3A_298 = arith.addi %get3A_295, %add3A_297 : vector<16xi32>
    %swap3A_299 = arith.constant 128 : index
    %swap3A_300 = tpu.vector_load %arg8[%swap3A_299] {strides = array<i32>} : memref<256xi32, #tpu.memory_space<vmem>>, vector<16xi32>,
    %swap3A_301 = vector.shape_cast %swap3A_300 : vector<16xi32> to vector<16xi32>
    %swap3A_302 = vector.shape_cast %add3A_298 : vector<16xi32> to vector<16xi32>
    tpu.vector_store %arg8[%swap3A_299], %swap3A_302 {strides = array<i32>} : memref<256xi32, #tpu.memory_space<vmem>>, vector<16xi32>,
    %get3A_303 = arith.constant 16 : index
    %get3A_304 = tpu.vector_load %arg8[%get3A_303] {strides = array<i32>} : memref<256xi32, #tpu.memory_space<vmem>>, vector<16xi32>,
    %get3A_305 = vector.shape_cast %get3A_304 : vector<16xi32> to vector<16xi32>
    %add3A_306 = arith.constant 1048576 : i32
    %add3A_307 = vector.broadcast %add3A_306 : i32 to vector<16xi32>
    %add3A_308 = arith.addi %get3A_305, %add3A_307 : vector<16xi32>
    %swap3A_309 = arith.constant 144 : index
    %swap3A_310 = tpu.vector_load %arg8[%swap3A_309] {strides = array<i32>} : memref<256xi32, #tpu.memory_space<vmem>>, vector<16xi32>,
    %swap3A_311 = vector.shape_cast %swap3A_310 : vector<16xi32> to vector<16xi32>
    %swap3A_312 = vector.shape_cast %add3A_308 : vector<16xi32> to vector<16xi32>
    tpu.vector_store %arg8[%swap3A_309], %swap3A_312 {strides = array<i32>} : memref<256xi32, #tpu.memory_space<vmem>>, vector<16xi32>,
    %get3A_313 = arith.constant 32 : index
    %get3A_314 = tpu.vector_load %arg8[%get3A_313] {strides = array<i32>} : memref<256xi32, #tpu.memory_space<vmem>>, vector<16xi32>,
    %get3A_315 = vector.shape_cast %get3A_314 : vector<16xi32> to vector<16xi32>
    %add3A_316 = arith.constant 1048576 : i32
    %add3A_317 = vector.broadcast %add3A_316 : i32 to vector<16xi32>
    %add3A_318 = arith.addi %get3A_315, %add3A_317 : vector<16xi32>
    %swap3A_319 = arith.constant 160 : index
    %swap3A_320 = tpu.vector_load %arg8[%swap3A_319] {strides = array<i32>} : memref<256xi32, #tpu.memory_space<vmem>>, vector<16xi32>,
    %swap3A_321 = vector.shape_cast %swap3A_320 : vector<16xi32> to vector<16xi32>
    %swap3A_322 = vector.shape_cast %add3A_318 : vector<16xi32> to vector<16xi32>
    tpu.vector_store %arg8[%swap3A_319], %swap3A_322 {strides = array<i32>} : memref<256xi32, #tpu.memory_space<vmem>>, vector<16xi32>,
    %get3A_323 = arith.constant 48 : index
    %get3A_324 = tpu.vector_load %arg8[%get3A_323] {strides = array<i32>} : memref<256xi32, #tpu.memory_space<vmem>>, vector<16xi32>,
    %get3A_325 = vector.shape_cast %get3A_324 : vector<16xi32> to vector<16xi32>
    %add3A_326 = arith.constant 1048576 : i32
    %add3A_327 = vector.broadcast %add3A_326 : i32 to vector<16xi32>
    %add3A_328 = arith.addi %get3A_325, %add3A_327 : vector<16xi32>
    %swap3A_329 = arith.constant 176 : index
    %swap3A_330 = tpu.vector_load %arg8[%swap3A_329] {strides = array<i32>} : memref<256xi32, #tpu.memory_space<vmem>>, vector<16xi32>,
    %swap3A_331 = vector.shape_cast %swap3A_330 : vector<16xi32> to vector<16xi32>
    %swap3A_332 = vector.shape_cast %add3A_328 : vector<16xi32> to vector<16xi32>
    tpu.vector_store %arg8[%swap3A_329], %swap3A_332 {strides = array<i32>} : memref<256xi32, #tpu.memory_space<vmem>>, vector<16xi32>,
    %get3A_333 = arith.constant 64 : index
    %get3A_334 = tpu.vector_load %arg8[%get3A_333] {strides = array<i32>} : memref<256xi32, #tpu.memory_space<vmem>>, vector<16xi32>,
    %get3A_335 = vector.shape_cast %get3A_334 : vector<16xi32> to vector<16xi32>
    %add3A_336 = arith.constant 1048576 : i32
    %add3A_337 = vector.broadcast %add3A_336 : i32 to vector<16xi32>
    %add3A_338 = arith.addi %get3A_335, %add3A_337 : vector<16xi32>
    %swap3A_339 = arith.constant 192 : index
    %swap3A_340 = tpu.vector_load %arg8[%swap3A_339] {strides = array<i32>} : memref<256xi32, #tpu.memory_space<vmem>>, vector<16xi32>,
    %swap3A_341 = vector.shape_cast %swap3A_340 : vector<16xi32> to vector<16xi32>
    %swap3A_342 = vector.shape_cast %add3A_338 : vector<16xi32> to vector<16xi32>
    tpu.vector_store %arg8[%swap3A_339], %swap3A_342 {strides = array<i32>} : memref<256xi32, #tpu.memory_space<vmem>>, vector<16xi32>,
    %get3A_343 = arith.constant 80 : index
    %get3A_344 = tpu.vector_load %arg8[%get3A_343] {strides = array<i32>} : memref<256xi32, #tpu.memory_space<vmem>>, vector<16xi32>,
    %get3A_345 = vector.shape_cast %get3A_344 : vector<16xi32> to vector<16xi32>
    %add3A_346 = arith.constant 1048576 : i32
    %add3A_347 = vector.broadcast %add3A_346 : i32 to vector<16xi32>
    %add3A_348 = arith.addi %get3A_345, %add3A_347 : vector<16xi32>
    %swap3A_349 = arith.constant 208 : index
    %swap3A_350 = tpu.vector_load %arg8[%swap3A_349] {strides = array<i32>} : memref<256xi32, #tpu.memory_space<vmem>>, vector<16xi32>,
    %swap3A_351 = vector.shape_cast %swap3A_350 : vector<16xi32> to vector<16xi32>
    %swap3A_352 = vector.shape_cast %add3A_348 : vector<16xi32> to vector<16xi32>
    tpu.vector_store %arg8[%swap3A_349], %swap3A_352 {strides = array<i32>} : memref<256xi32, #tpu.memory_space<vmem>>, vector<16xi32>,
    %get3A_353 = arith.constant 96 : index
    %get3A_354 = tpu.vector_load %arg8[%get3A_353] {strides = array<i32>} : memref<256xi32, #tpu.memory_space<vmem>>, vector<16xi32>,
    %get3A_355 = vector.shape_cast %get3A_354 : vector<16xi32> to vector<16xi32>
    %add3A_356 = arith.constant 1048576 : i32
    %add3A_357 = vector.broadcast %add3A_356 : i32 to vector<16xi32>
    %add3A_358 = arith.addi %get3A_355, %add3A_357 : vector<16xi32>
    %swap3A_359 = arith.constant 224 : index
    %swap3A_360 = tpu.vector_load %arg8[%swap3A_359] {strides = array<i32>} : memref<256xi32, #tpu.memory_space<vmem>>, vector<16xi32>,
    %swap3A_361 = vector.shape_cast %swap3A_360 : vector<16xi32> to vector<16xi32>
    %swap3A_362 = vector.shape_cast %add3A_358 : vector<16xi32> to vector<16xi32>
    tpu.vector_store %arg8[%swap3A_359], %swap3A_362 {strides = array<i32>} : memref<256xi32, #tpu.memory_space<vmem>>, vector<16xi32>,
    %get3A_363 = arith.constant 112 : index
    %get3A_364 = tpu.vector_load %arg8[%get3A_363] {strides = array<i32>} : memref<256xi32, #tpu.memory_space<vmem>>, vector<16xi32>,
    %get3A_365 = vector.shape_cast %get3A_364 : vector<16xi32> to vector<16xi32>
    %add3A_366 = arith.constant 1048576 : i32
    %add3A_367 = vector.broadcast %add3A_366 : i32 to vector<16xi32>
    %add3A_368 = arith.addi %get3A_365, %add3A_367 : vector<16xi32>
    %swap3A_369 = arith.constant 240 : index
    %swap3A_370 = tpu.vector_load %arg8[%swap3A_369] {strides = array<i32>} : memref<256xi32, #tpu.memory_space<vmem>>, vector<16xi32>,
    %swap3A_371 = vector.shape_cast %swap3A_370 : vector<16xi32> to vector<16xi32>
    %swap3A_372 = vector.shape_cast %add3A_368 : vector<16xi32> to vector<16xi32>
    tpu.vector_store %arg8[%swap3A_369], %swap3A_372 {strides = array<i32>} : memref<256xi32, #tpu.memory_space<vmem>>, vector<16xi32>,
    %dma_start3A_373 = arith.constant 1 : i32
    %dma_start3A_374 = arith.constant 0 : i32
    %dma_start3A_375 = tpu.memref_slice %arg9[%dma_start3A_373, %dma_start3A_374] : memref<2x128xf32, #tpu.memory_space<vmem>> -> memref<1x128xf32, #tpu.memory_space<vmem>>
    %dma_start3A_376 = tpu.memref_squeeze %dma_start3A_375 : memref<1x128xf32, #tpu.memory_space<vmem>> -> memref<128xf32, #tpu.memory_space<vmem>>
    %dma_start3A_377 = arith.constant 128 : i32
    %dma_start3A_378 = tpu.memref_slice %arg8[%dma_start3A_377] : memref<256xi32, #tpu.memory_space<vmem>> -> memref<128xi32, #tpu.memory_space<vmem>>
    %dma_start3A_379 = arith.constant 0 : i32
    %dma_start3A_380 = tpu.memref_slice %arg2[%dma_start3A_379] : memref<33554432xf32, #tpu.memory_space<hbm>> -> memref<33554432xf32, #tpu.memory_space<hbm>>
    tpu.enqueue_indirect_dma source(%dma_start3A_380 : memref<33554432xf32, #tpu.memory_space<hbm>>) target(%dma_start3A_376 : memref<128xf32, #tpu.memory_space<vmem>>) offsets(%dma_start3A_378 : memref<128xi32, #tpu.memory_space<vmem>>) semaphore(%arg10 : memref<!tpu.dma_semaphore, #tpu.memory_space<semaphore_mem>>)
    %dma_wait3A = arith.constant 0 : i32
    %dma_wait3A_381 = arith.constant 0 : i32
    %dma_wait3A_382 = tpu.memref_slice %arg9[%dma_wait3A, %dma_wait3A_381] : memref<2x128xf32, #tpu.memory_space<vmem>> -> memref<1x128xf32, #tpu.memory_space<vmem>>
    %dma_wait3A_383 = tpu.memref_squeeze %dma_wait3A_382 : memref<1x128xf32, #tpu.memory_space<vmem>> -> memref<128xf32, #tpu.memory_space<vmem>>
    %dma_wait3A_384 = arith.constant 0 : i32
    %dma_wait3A_385 = tpu.memref_slice %arg8[%dma_wait3A_384] : memref<256xi32, #tpu.memory_space<vmem>> -> memref<128xi32, #tpu.memory_space<vmem>>
    %dma_wait3A_386 = arith.constant 0 : i32
    %dma_wait3A_387 = tpu.memref_slice %arg2[%dma_wait3A_386] : memref<33554432xf32, #tpu.memory_space<hbm>> -> memref<33554432xf32, #tpu.memory_space<hbm>>
    tpu.wait_indirect_dma semaphore(%arg12 : memref<!tpu.dma_semaphore, #tpu.memory_space<semaphore_mem>>) src(%dma_wait3A_387 : memref<33554432xf32, #tpu.memory_space<hbm>>) dst(%dma_wait3A_383 : memref<128xf32, #tpu.memory_space<vmem>>)
    %dma_wait3A_388 = arith.constant 1 : i32
    %dma_wait3A_389 = arith.constant 0 : i32
    %dma_wait3A_390 = tpu.memref_slice %arg9[%dma_wait3A_388, %dma_wait3A_389] : memref<2x128xf32, #tpu.memory_space<vmem>> -> memref<1x128xf32, #tpu.memory_space<vmem>>
    %dma_wait3A_391 = tpu.memref_squeeze %dma_wait3A_390 : memref<1x128xf32, #tpu.memory_space<vmem>> -> memref<128xf32, #tpu.memory_space<vmem>>
    %dma_wait3A_392 = arith.constant 128 : i32
    %dma_wait3A_393 = tpu.memref_slice %arg8[%dma_wait3A_392] : memref<256xi32, #tpu.memory_space<vmem>> -> memref<128xi32, #tpu.memory_space<vmem>>
    %dma_wait3A_394 = arith.constant 0 : i32
    %dma_wait3A_395 = tpu.memref_slice %arg2[%dma_wait3A_394] : memref<33554432xf32, #tpu.memory_space<hbm>> -> memref<33554432xf32, #tpu.memory_space<hbm>>
    tpu.wait_indirect_dma semaphore(%arg10 : memref<!tpu.dma_semaphore, #tpu.memory_space<semaphore_mem>>) src(%dma_wait3A_395 : memref<33554432xf32, #tpu.memory_space<hbm>>) dst(%dma_wait3A_391 : memref<128xf32, #tpu.memory_space<vmem>>)
    %mul3A_396 = arith.constant 2 : i32
    %mul3A_397 = arith.muli %mul3A_396, %arg1 : i32
    "tpu.region"() ({
      %run_scoped3A = tpu.sem_alloc : memref<!tpu.dma_semaphore, #tpu.memory_space<semaphore_mem>>
      %dma_start3A_398 = arith.constant 0 : i32
      %dma_start3A_399 = tpu.memref_slice %arg5[%mul3A_397, %dma_start3A_398] : memref<32x128xf32, #tpu.memory_space<hbm>> -> memref<2x128xf32, #tpu.memory_space<hbm>>
      %dma_start3A_400 = arith.constant 0 : i32
      %dma_start3A_401 = tpu.memref_slice %arg5[%mul3A_397, %dma_start3A_400] : memref<32x128xf32, #tpu.memory_space<hbm>> -> memref<2x128xf32, #tpu.memory_space<hbm>>
      tpu.enqueue_dma source(%arg9 : memref<2x128xf32, #tpu.memory_space<vmem>>) target(%dma_start3A_401 : memref<2x128xf32, #tpu.memory_space<hbm>>) target_semaphore(%run_scoped3A : memref<!tpu.dma_semaphore, #tpu.memory_space<semaphore_mem>>)
      %dma_wait3A_402 = arith.constant 0 : i32
      %dma_wait3A_403 = tpu.memref_slice %arg5[%mul3A_397, %dma_wait3A_402] : memref<32x128xf32, #tpu.memory_space<hbm>> -> memref<2x128xf32, #tpu.memory_space<hbm>>
      %dma_wait3A_404 = arith.constant 0 : i32
      %dma_wait3A_405 = tpu.memref_slice %arg5[%mul3A_397, %dma_wait3A_404] : memref<32x128xf32, #tpu.memory_space<hbm>> -> memref<2x128xf32, #tpu.memory_space<hbm>>
      tpu.wait_dma2 semaphore(%run_scoped3A : memref<!tpu.dma_semaphore, #tpu.memory_space<semaphore_mem>>) src(%arg9 : memref<2x128xf32, #tpu.memory_space<vmem>>) dst(%dma_wait3A_405 : memref<2x128xf32, #tpu.memory_space<hbm>>)
      tpu.yield
    }) : () -> ()
    return
  }
}

</mosaic_0001>

<sc_bundles>
// kernel: kernel.3.cloned.1.call-start
scs
__scs_entry_jumppad:
0x0: {  	(pc) =	sbr.rel $0x88, $3  }
0x1: {  	(tag) =	ssettag $0x0;
	lr =	simm.s32 $0x1  }
0x2: {  	[smem:$0x3F9E] =	sst lr;
	_ =	strace $0xD0000000  }
0x3: {  	_ = 	snop  }
0x4: {  	_ = 	snop  }
0x5: {  	_ = 	snop  }
0x6: {  	_ = 	snop  }
0x7: {  	_ = 	snop  }
__scs_overlays_trampoline_lowered:
0x8: {  	[smem:$0x3FAD] =	sst s0  }
0x9: {  	[smem:$0x3FAE] =	sst s1  }
0xa: {  	[smem:$0x3FAF] =	sst s2  }
0xb: {  	[smem:$0x3FB0] =	sst s3  }
0xc: {  	[smem:$0x3FB1] =	sst s4  }
0xd: {  	[smem:$0x3FB2] =	sst s5  }
0xe: {  	[smem:$0x3FB3] =	sst s6  }
0xf: {  	[smem:$0x3FB4] =	sst s7  }
0x10: {  	[smem:$0x3FB5] =	sst s8  }
0x11: {  	[smem:$0x3FB6] =	sst s9;
	s0 =	simm.s32 @!p0 $0x0  }
0x12: {  	s1 =	sld [smem:$0x3F9C];
	s0 =	simm.s32 @p0 $0x1  }
0x13: {  	[smem:$0x3FB7] =	sst s0;
	s0 =	simm.s32 @!p1 $0x0  }
0x14: {  	s2 =	sld [smem:$0x3F9B];
	s0 =	simm.s32 @p1 $0x1  }
0x15: {  	[smem:$0x3FB8] =	sst s0;
	s0 =	simm.s32 @!p2 $0x0  }
0x16: {  	s3 =	sld [smem:$0x3FDB];
	s0 =	simm.s32 @p2 $0x1  }
0x17: {  	s4 =	simm.s32 $0x1BF5;
	[smem:$0x3FBA] =	sst s0  }
0x18: {  	s0 =	sld [smem:$0x3F9D];
	_ =	swait.ge [sflag:s4], $0x0  }
0x19: {  	s7 =	sld [smem:$0x3F9E]  }
0x1a: {  	s8 =	sadd.s32 $0xFFFFE003, lr  }
0x1b: {  	s9 =	sadd.s32 $0xFFFFFEF7, lr;
	s5 =	simm.s32 $0xFFFFFFFF;
	p2 =	slt.u32 s8, $0xFFFFF086  }
0x1c: {  	p1 =	slt.u32 s9, $0xF7A;
	s5 =	simm.s32 @!p2 $0x0  }
0x1d: {  	s5 =	simm.s32 @p1 $0x1;
	p0 =	seq.s32 s7, s2  }
0x1e: {  	s7 =	smul.u32 @!p0 $0xF7A, s2;
	p2 =	seq.s32 @!p0 s5, $0x0  }
0x1f: {  	s9 =	smul.u32 $0xF7A, s1;
	s8 =	simm.s32 @!p0 $0x1BF5;
	p2 =	por !p2, p0  }
0x20: {  	[sflag:s8] =	ssyncset.s32 @!p0 $0xFFFFF086;
	s6 =	sadd.s32 @!p0 s3, s7;
	s7 =	simm.s32 @!p0 $0x108  }
0x21: {  	s3 =	sadd.s32 s3, s9;
	s6 =	sadd.s32 @!p0 $0x88, s6;
	s7 =	simm.s32 @p2 $0x1082  }
0x22: {  	[simem:s7], [sflag:s8] =	dma.local @!p0 [hbm:s6], $0xF7A  }
0x23: {  	s9 =	sor.u32 $0xD0000000, s2;
	s6 =	simm.s32 $0x108;
	_ =	swait.ge @!p0 [sflag:s8], $0x0  }
0x24: {  	s3 =	sadd.s32 $0x88, s3;
	s6 =	simm.s32 @!p1 $0x1082;
	[sflag:s4] =	ssyncset.s32 $0xFFFFF086  }
0x25: {  	[simem:s6], [sflag:s4] =	dma.local [hbm:s3], $0xF7A  }
0x26: {  	[smem:$0x3F9E] =	sst s1;
	(tag) =	ssettag s2;
	_ =	strace s9  }
0x27: {  	s1 =	sld [smem:$0x3FAE]  }
0x28: {  	s2 =	sld [smem:$0x3FAF]  }
0x29: {  	s4 =	sld [smem:$0x3FB1]  }
0x2a: {  	p0 =	seq.s32 s5, $0x0;
	s5 =	sld [smem:$0x3FB2]  }
0x2b: {  	s6 =	sld [smem:$0x3FB3]  }
0x2c: {  	s7 =	sld [smem:$0x3FB4]  }
0x2d: {  	s3 =	simm.s32 $0x108;
	s8 =	sld [smem:$0x3FB5]  }
0x2e: {  	s3 =	simm.s32 @!p0 $0x1082;
	s9 =	sld [smem:$0x3FB6]  }
0x2f: {  	lr =	sadd.s32 s0, s3;
	s0 =	sld [smem:$0x3FAD]  }
0x30: {  	s3 =	sld [smem:$0x3FB0]  }
0x31: {  	[smem:$0x3FB9] =	sst s10  }
0x32: {  	s10 =	sld [smem:$0x3FB7];
	_ =	sdelay $0x3  }
0x33: {  	p0 =	seq.s32 s10, $0x1;
	s10 =	sld [smem:$0x3FB9];
	_ =	sdelay $0x3  }
0x34: {  	[smem:$0x3FB9] =	sst s10  }
0x35: {  	s10 =	sld [smem:$0x3FB8];
	_ =	sdelay $0x3  }
0x36: {  	p1 =	seq.s32 s10, $0x1;
	s10 =	sld [smem:$0x3FB9];
	_ =	sdelay $0x3  }
0x37: {  	[smem:$0x3FB9] =	sst s10  }
0x38: {  	s10 =	sld [smem:$0x3FBA]  }
0x39: {  	_ = 	snop;
	(pc) =	sbr.ind lr, $3  }
0x3a: {  	_ = 	snop  }
0x3b: {  	_ = 	snop  }
0x3c: {  	p2 =	seq.s32 s10, $0x1;
	s10 =	sld [smem:$0x3FB9]  }
0x3d: {  	_ =	shalt  }
0x3e: {  	_ =	shalt  }
0x3f: {  	_ =	shalt  }
0x40: {  	_ =	shalt  }
0x41: {  	_ =	shalt  }
0x42: {  	_ =	shalt  }
0x43: {  	_ =	shalt  }
0x44: {  	_ =	shalt  }
0x45: {  	_ =	shalt  }
0x46: {  	_ =	shalt  }
0x47: {  	_ =	shalt  }
0x48: {  	_ =	shalt  }
0x49: {  	_ =	shalt  }
0x4a: {  	_ =	shalt  }
0x4b: {  	_ =	shalt  }
0x4c: {  	_ =	shalt  }
0x4d: {  	_ =	shalt  }
0x4e: {  	_ =	shalt  }
0x4f: {  	_ =	shalt  }
0x50: {  	_ =	shalt  }
0x51: {  	_ =	shalt  }
0x52: {  	_ =	shalt  }
0x53: {  	_ =	shalt  }
0x54: {  	_ =	shalt  }
0x55: {  	_ =	shalt  }
0x56: {  	_ =	shalt  }
0x57: {  	_ =	shalt  }
0x58: {  	_ =	shalt  }
0x59: {  	_ =	shalt  }
0x5a: {  	_ =	shalt  }
0x5b: {  	_ =	shalt  }
0x5c: {  	_ =	shalt  }
0x5d: {  	_ =	shalt  }
0x5e: {  	_ =	shalt  }
0x5f: {  	_ =	shalt  }
0x60: {  	_ =	shalt  }
0x61: {  	_ =	shalt  }
0x62: {  	_ =	shalt  }
0x63: {  	_ =	shalt  }
0x64: {  	_ =	shalt  }
0x65: {  	_ =	shalt  }
0x66: {  	_ =	shalt  }
0x67: {  	_ =	shalt  }
0x68: {  	_ =	shalt  }
0x69: {  	_ =	shalt  }
0x6a: {  	_ =	shalt  }
0x6b: {  	_ =	shalt  }
0x6c: {  	_ =	shalt  }
0x6d: {  	_ =	shalt  }
0x6e: {  	_ =	shalt  }
0x6f: {  	_ =	shalt  }
0x70: {  	_ =	shalt  }
0x71: {  	_ =	shalt  }
0x72: {  	_ =	shalt  }
0x73: {  	_ =	shalt  }
0x74: {  	_ =	shalt  }
0x75: {  	_ =	shalt  }
0x76: {  	_ =	shalt  }
0x77: {  	_ =	shalt  }
0x78: {  	_ =	shalt  }
0x79: {  	_ =	shalt  }
0x7a: {  	_ =	shalt  }
0x7b: {  	_ =	shalt  }
0x7c: {  	_ =	shalt  }
0x7d: {  	_ =	shalt  }
0x7e: {  	_ =	shalt  }
0x7f: {  	_ =	shalt  }
0x80: {  	_ =	shalt  }
0x81: {  	_ =	shalt  }
0x82: {  	_ =	shalt  }
0x83: {  	_ =	shalt  }
0x84: {  	_ =	shalt  }
0x85: {  	_ =	shalt  }
0x86: {  	_ =	shalt  }
0x87: {  	_ =	shalt  }
.Lfunc_end0:
.L_simem_size_0:
called_computation_lowered:
.L_overlay_start_0:
0x88: {  	s0 =	sld [smem:$0x3FD9]  }
0x89: {  	s1 =	sld [smem:$0x3FFE];
	_ =	sdelay $0x3  }
0x8a: {  	s0 =	sadd.s32 s1, s0  }
0x8b: {  	[smem:$0x3FC5] =	sst s0  }
0x8c: {  	_ = 	snop  }
0x8d: {  	s0 =	sld [smem:$0x3FC9]  }
0x8e: {  	s17 =	sld [smem:$0x3FC8]  }
0x8f: {  	s2 =	sld [smem:$0x3FC7]  }
0x90: {  	s3 =	sld [smem:$0x3FD0];
	(tm) =	ssettm $0x1  }
0x91: {  	s4 =	sld [smem:$0x3FFB];
	_ =	sdelay $0x3  }
0x92: {  	_ =	strace s4  }
0x93: {  	s4 =	sld [smem:$0x3FFC];
	_ =	sdelay $0x3  }
0x94: {  	_ =	strace s4  }
0x95: {  	s4 =	sld [smem:$0x3FFD];
	_ =	sdelay $0x3  }
0x96: {  	_ =	strace s4  }
0x97: {  	_ =	strace $0x8FFFFFFF  }
0x98: {  	s18 =	sld [smem:$0x3FDB];
	_ =	sdelay $0x1  }
0x99: {  	s5 =	simm.s32 $_scs_section_size  }
0x9a: {  	s6 =	simm.s32 $_size__tile_overlayer_lowered;
	s7 =	simm.s32 $_tile_overlayer_lowered  }
0x9b: {  	s21 =	simm.s32 $0x1BFF;
	s20 =	sshll.u32 s7, $0x1;
	s4 =	sadd.s32 s5, s18  }
0x9c: {  	s8 =	simm.s32 $0x0;
	s19 =	sshll.u32 s6, $0x1;
	s6 =	sadd.s32 s20, s4  }
0x9d: {  	[timem:s8], [sflag:s21] =	dma.local [hbm:s6], s19  }
0x9e: {  	_ =	swait.ge [sflag:s21], s19  }
0x9f: {  	s5 =	ssub.s32 $0x0, s19;
	[sflag:s21] =	ssyncset.done $0x0  }
0xa0: {  	[sflag:s21] =	ssyncadd.s32 s5;
	_ =	sdelay $0x1  }
0xa1: {  	s22 =	simm.s32 $0x1B8B  }
0xa2: {  	_ =	swait.ge [sflag:s22], $0x1  }
0xa3: {  	[sflag:s22] =	ssyncset.done $0x0  }
0xa4: {  	s23 =	simm.s32 $0x1B8E;
	[sflag:s22] =	ssyncadd.s32 $0xFFFFFFFF  }
0xa5: {  	s24 =	simm.s32 $execute0_lowered;
	[smem:$0x3FD2] =	sst s23  }
0xa6: {  	s5 =	sshll.u32 s24, $0x1;
	_ =	strace $0x80000046;
	[dreg:$0x1] =	wrdreg $0xFFFFFFFF  }
0xa7: {  	s25 =	simm.s32 $_size_execute0_lowered;
	s4 =	sadd.s32 s4, s5;
	[dreg:$0x0] =	wrdreg $0x0  }
0xa8: {  	s5 =	sshll.u32 s25, $0x1;
	[dreg:$0x2] =	wrdreg s4  }
0xa9: {  	[dreg:$0x3] =	wrdreg s5  }
0xaa: {  	[dreg:$0x4] =	wrdreg $0xC0  }
0xab: {  	_ =	task [dreg:s8], $0x5FFFF  }
0xac: {  	[dreg:$0x1] =	wrdreg $0xFFFFFFFF  }
0xad: {  	[dreg:$0x0] =	wrdreg $0x60  }
0xae: {  	[dreg:$0x2] =	wrdreg s0  }
0xaf: {  	[dreg:$0x3] =	wrdreg s17  }
0xb0: {  	[dreg:$0x4] =	wrdreg s2  }
0xb1: {  	[dreg:$0x5] =	wrdreg s3  }
0xb2: {  	[dreg:$0x6] =	wrdreg $0x9  }
0xb3: {  	_ =	task.clear_ibuf [dreg:s8], $0x7FFFF;
	_ =	strace $0x90000046  }
0xb4: {  	s26 =	simm.s32 $0x9;
	_ =	strace $0x80000048  }
0xb5: {  	_ =	swait.ge [sflag:s26], $0x1  }
0xb6: {  	[sflag:s26] =	ssyncadd.s32 $0xFFFFFFFF  }
0xb7: {  	_ =	strace $0x90000048  }
0xb8: {  	_ =	sfence  }
0xb9: {  	s28 =	sld [smem:$0x0];
	_ =	sdelay $0x1  }
0xba: {  	s29 =	srdreg.scid  }
0xbb: {  	s30 =	sshll.u32 s29, $0xD;
	s31 =	sshrl.u32 s29, $0x2  }
0xbc: {  	s1 =	sand.u32 $0x1, s29;
	s2 =	sand.u32 $0x4000, s30;
	s0 =	sadd.s32 s31, s28  }
0xbd: {  	s1 =	sor.u32 s2, s1;
	s0 =	sshll.u32 s0, $0x11  }
0xbe: {  	s0 =	sor.u32 s0, s1  }
0xbf: {  	s0 =	sadd.s32 $0x8F2B, s0  }
0xc0: {  	[sflag:s0] =	ssyncadd.remote.s32 $0x1  }
0xc1: {  	_ =	sfence.sel $0xFFFF  }
0xc2: {  	[dreg:$0x0] =	wrdreg $0xFFFFFFFF;
	(pc) =	sbr.abs _section_cstart, $3  }
0xc3: {  	[dreg:$0x1] =	wrdreg $0xFFFFFFFF  }
0xc4: {  	_ =	task.clear_ibuf [dreg:s8], $0x2FFFF;
	_ =	strace $0x9FFFFFFF  }
0xc5: {  	(tm) =	ssettm $0x7FFFFFFF  }
tec
execute0_lowered:
.L_overlay_start_1:
0x0: {  	(tag) =	ssettag $0x1  }
0x1: {  	s3 =	rddreg [dreg:$0x0]  }
0x2: {  	s4 =	rddreg [dreg:$0x1]  }
0x3: {  	s5 =	rddreg [dreg:$0x2]  }
0x4: {  	s1 =	rddreg [dreg:$0x3];
	s2 =	simm.s32 $0x0  }
0x5: {  	[smem:$0x7FF] =	sst s2  }
0x6: {  	s0 =	rddreg [dreg:$0x4];
	_ =	strace $0x80000047  }
0x7: {  	[tilespmem:s2], [sflag:$0x1] =	stream.linear.gather [hbm4b:s4+s2], $0x80, $0x38;
	[tilespmem:$0x300] =	vst v63  }
0x8: {  	s6 =	simm.s32 $0x80;
	s23 =	simm.s32 $0x1  }
0x9: {  	[tilespmem:s6], [sflag:$0x2] =	stream.linear.gather [hbm4b:s5+s2], $0x80, $0x38;
	[tilespmem:$0x300] =	vst v63  }
0xa: {  	_ =	swait.ge [sflag:s23], $0x80  }
0xb: {  	[sflag:s23] =	ssyncset.done $0x0  }
0xc: {  	s24 =	simm.s32 $0x2;
	[sflag:s23] =	ssyncadd.s32 $0xFFFFFF80  }
0xd: {  	_ =	swait.ge [sflag:s24], $0x80  }
0xe: {  	[sflag:s24] =	ssyncset.done $0x0  }
0xf: {  	[sflag:s24] =	ssyncadd.s32 $0xFFFFFF80  }
0x10: {  	v0 =	vld [tilespmem:$0x0]  }
0x11: {  	v1 =	vld [tilespmem:$0x80]  }
0x12: {  	v2 =	vld [tilespmem:$0x10]  }
0x13: {  	v5 =	vld [tilespmem:$0x90]  }
0x14: {  	v6 =	vld [tilespmem:$0x20]  }
0x15: {  	v61 =	vld [tilespmem:$0xA0]  }
0x16: {  	v63 =	vld [tilespmem:$0x30]  }
0x17: {  	v15 =	vld [tilespmem:$0xB0]  }
0x18: {  	v9 =	vld [tilespmem:$0x40]  }
0x19: {  	v10 =	vld [tilespmem:$0xC0]  }
0x1a: {  	v20 =	vld [tilespmem:$0x50]  }
0x1b: {  	v23 =	vld [tilespmem:$0xD0]  }
0x1c: {  	v26 =	vld [tilespmem:$0x60];
	v3 =	vshll.u32 v0, $0xA;
	v4 =	vshll.u32 v1, $0x3;
	v0 =	vshll.u32 v0, $0x7  }
0x1d: {  	v28 =	vld [tilespmem:$0xE0];
	v1 =	vand.u32 $0x7F, v1;
	v7 =	vshll.u32 v2, $0xA;
	v2 =	vshll.u32 v2, $0x7  }
0x1e: {  	v30 =	vld [tilespmem:$0x70];
	v8 =	vshll.u32 v5, $0x3;
	v5 =	vand.u32 $0x7F, v5;
	v13 =	vshll.u32 v6, $0xA  }
0x1f: {  	v34 =	vld [tilespmem:$0xF0];
	v16 =	vshll.u32 v61, $0x3;
	v6 =	vshll.u32 v6, $0x7;
	v17 =	vshll.u32 v63, $0xA  }
0x20: {  	v19 =	vshll.u32 v15, $0x3;
	v22 =	vshll.u32 v9, $0xA;
	v24 =	vshll.u32 v10, $0x3  }
0x21: {  	v25 =	vshll.u32 v9, $0x7;
	v10 =	vand.u32 $0x7F, v10;
	v27 =	vshll.u32 v20, $0xA  }
0x22: {  	v11 =	vshll.u32 v23, $0x3;
	v31 =	vshll.u32 v26, $0xA;
	v9 =	vshll.u32 v26, $0x7  }
0x23: {  	v36 =	vand.u32 $0x7F, v28;
	v38 =	vshll.u32 v30, $0xA;
	v39 =	vshll.u32 v28, $0x3  }
0x24: {  	v40 =	vshll.u32 v30, $0x7;
	v43 =	vshll.u32 v34, $0x3;
	v44 =	vand.u32 $0x7F, v34  }
0x25: {  	v3 =	vand.u32 $0xFFFFE000, v3;
	v4 =	vand.u32 $0xFFFFFC00, v4;
	v0 =	vand.u32 $0x380, v0  }
0x26: {  	v60 =	vand.u32 $0xFFFFE000, v7;
	v2 =	vand.u32 $0x380, v2;
	v12 =	vand.u32 $0xFFFFFC00, v8  }
0x27: {  	s25 =	stileid.u32;
	v14 =	vand.u32 $0xFFFFE000, v13;
	v6 =	vand.u32 $0x380, v6;
	v7 =	vand.u32 $0x7F, v61  }
0x28: {  	s7 =	sshll.u32 s25, $0x15;
	v8 =	vand.u32 $0xFFFFE000, v17;
	v21 =	vand.u32 $0xFFFFFC00, v19;
	v33 =	vand.u32 $0x380, v9  }
0x29: {  	v35 =	vand.u32 $0xFFFFFC00, v11;
	v3 =	vadd.s32 s7, v3;
	v62 =	vadd.s32 s7, v60  }
0x2a: {  	v18 =	vadd.s32 s7, v8;
	v8 =	vand.u32 $0x380, v25;
	v0 =	vor.u32 v0, v3  }
0x2b: {  	v3 =	vshll.u32 v63, $0x7;
	v0 =	vor.u32 v1, v0;
	v1 =	vor.u32 v2, v62  }
0x2c: {  	v2 =	vadd.s32 s7, v14;
	v3 =	vand.u32 $0x380, v3;
	v1 =	vor.u32 v5, v1  }
0x2d: {  	v0 =	vadd.s32 v4, v0;
	v5 =	vand.u32 $0xFFFFFC00, v16;
	v2 =	vor.u32 v6, v2  }
0x2e: {  	v4 =	vand.u32 $0x7F, v15;
	v3 =	vor.u32 v3, v18;
	v6 =	vshll.u32 v20, $0x7  }
0x2f: {  	v1 =	vadd.s32 v12, v1;
	v3 =	vor.u32 v4, v3;
	v4 =	vand.u32 $0xFFFFE000, v22  }
0x30: {  	v2 =	vor.u32 v7, v2;
	v7 =	vand.u32 $0xFFFFFC00, v24;
	v4 =	vadd.s32 s7, v4  }
0x31: {  	v6 =	vand.u32 $0x380, v6;
	v4 =	vor.u32 v8, v4;
	v8 =	vand.u32 $0xFFFFE000, v27  }
0x32: {  	v2 =	vadd.s32 v5, v2;
	v3 =	vadd.s32 v21, v3;
	v29 =	vadd.s32 s7, v8  }
0x33: {  	[tilespmem:$0x100] =	vst v0;
	v5 =	vand.u32 $0x7F, v23;
	v4 =	vor.u32 v10, v4;
	v6 =	vor.u32 v6, v29  }
0x34: {  	[tilespmem:$0x110] =	vst v1;
	v4 =	vadd.s32 v7, v4;
	v7 =	vand.u32 $0xFFFFE000, v31;
	v5 =	vor.u32 v5, v6  }
0x35: {  	[tilespmem:$0x120] =	vst v2;
	v32 =	vadd.s32 s7, v7;
	v0 =	vadd.s32 v35, v5;
	v5 =	vand.u32 $0xFFFFE000, v38  }
0x36: {  	v42 =	vand.u32 $0x380, v40;
	[tilespmem:$0x130] =	vst v3;
	v6 =	vor.u32 v33, v32;
	v41 =	vadd.s32 s7, v5  }
0x37: {  	v2 =	vand.u32 $0xFFFFFC00, v39;
	[tilespmem:$0x140] =	vst v4;
	v37 =	vor.u32 v36, v6;
	v3 =	vor.u32 v42, v41  }
0x38: {  	v46 =	vand.u32 $0xFFFFFC00, v43;
	[tilespmem:$0x150] =	vst v0;
	v45 =	vadd.s32 v2, v37;
	v47 =	vor.u32 v44, v3  }
0x39: {  	[tilespmem:$0x160] =	vst v45;
	v48 =	vadd.s32 v46, v47  }
0x3a: {  	s26 =	simm.s32 $0x100;
	s8 =	simm.s32 $0x200;
	[tilespmem:$0x170] =	vst v48  }
0x3b: {  	[tilespmem:s8], [sflag:$0x3] =	stream.indirect.gather [hbm4b:s3+s6], $0x1, s26, s6, $0xb8;
	[tilespmem:$0x300] =	vst v63  }
0x3c: {  	v49 =	vld [tilespmem:$0x100]  }
0x3d: {  	v50 =	vld [tilespmem:$0x110]  }
0x3e: {  	v51 =	vld [tilespmem:$0x120]  }
0x3f: {  	v52 =	vld [tilespmem:$0x130]  }
0x40: {  	v53 =	vld [tilespmem:$0x140]  }
0x41: {  	v54 =	vld [tilespmem:$0x150];
	v0 =	vadd.s32 $0x100000, v49  }
0x42: {  	v56 =	vld [tilespmem:$0x160];
	v55 =	vadd.s32 $0x100000, v50;
	[tilespmem:$0x180] =	vst v0  }
0x43: {  	v58 =	vld [tilespmem:$0x170];
	v57 =	vadd.s32 $0x100000, v51;
	[tilespmem:$0x190] =	vst v55  }
0x44: {  	v59 =	vadd.s32 $0x100000, v52;
	[tilespmem:$0x1A0] =	vst v57  }
0x45: {  	v60 =	vadd.s32 $0x100000, v53;
	[tilespmem:$0x1B0] =	vst v59  }
0x46: {  	v61 =	vadd.s32 $0x100000, v54;
	[tilespmem:$0x1C0] =	vst v60  }
0x47: {  	v62 =	vadd.s32 $0x100000, v56;
	[tilespmem:$0x1D0] =	vst v61  }
0x48: {  	v63 =	vadd.s32 $0x100000, v58;
	[tilespmem:$0x1E0] =	vst v62  }
0x49: {  	s28 =	simm.s32 $0x180;
	s9 =	simm.s32 $0x280;
	s29 =	simm.s32 $0x3;
	[tilespmem:$0x1F0] =	vst v63  }
0x4a: {  	[tilespmem:s9], [sflag:$0x1] =	stream.indirect.gather [hbm4b:s3+s6], $0x1, s28, s6, $0xb8;
	[tilespmem:$0x300] =	vst v63  }
0x4b: {  	_ =	swait.ge [sflag:s29], $0x80  }
0x4c: {  	[sflag:s29] =	ssyncset.done $0x0  }
0x4d: {  	[sflag:s29] =	ssyncadd.s32 $0xFFFFFF80  }
0x4e: {  	_ =	swait.ge [sflag:s23], $0x80  }
0x4f: {  	s30 =	sshll.u32 s25, $0x5;
	[sflag:s23] =	ssyncset.done $0x0  }
0x50: {  	s31 =	simm.s32 $0x4;
	s1 =	sadd.s32 s1, s30;
	[sflag:s23] =	ssyncadd.s32 $0xFFFFFF80  }
0x51: {  	[hbm4b:s1+s2] =	stream.linear.scatter [tilespmem:s8], [sflag:$0x4], $0x100, $0x38;
	[tilespmem:$0x300] =	vst v63  }
0x52: {  	_ =	swait.ge [sflag:s31], $0x100  }
0x53: {  	[sflag:s31] =	ssyncset.done $0x0  }
0x54: {  	[sflag:s31] =	ssyncadd.s32 $0xFFFFFF00  }
0x55: {  	_ =	sfence.sel $0x180000  }
0x56: {  	[bflag:$0x0] =	sbarrier.arrive $0xFFFF  }
0x57: {  	p0 =	sne.s32 s25, $0x0;
	_ =	strace $0x90000047  }
0x58: {  	s0 =	sadd.s32 @!p0 $0x100000, s0;
	[bflag:$0x2] =	sbarrier.arrive $0xFFFF  }
0x59: {  	[sflag:s0] =	ssyncadd.tile.s32 @!p0 $0x1;
	_ =	shalt  }
.Lfunc_end2:
_tile_overlayer_lowered:
.L_overlay_start_2:
0x5a: {  	(tag) =	ssettag $0x2  }
0x5b: {  	s0 =	rddreg [dreg:$0x0];
	s2 =	stileid.u32  }
0x5c: {  	s1 =	rddreg [dreg:$0x1];
	p0 =	sne.s32 s2, $0x0  }
0x5d: {  	s3 =	rddreg [dreg:$0x2];
	[bflag:$0x3] =	sbarrier.arrive $0xFFFF;
	s2 =	simm.s32 @!p0 $0x1C04  }
0x5e: {  	[timem:s3], [sflag:s2] =	dma.local @!p0 [hbm:s0], s1  }
0x5f: {  	s0 =	simm.s32 @!p0 $0x4  }
0x60: {  	_ =	swait.ge @!p0 [sflag:s0], s1  }
0x61: {  	s1 =	ssub.s32 @!p0 $0x0, s1;
	[sflag:s0] =	ssyncset.done @!p0 $0x0  }
0x62: {  	[sflag:s0] =	ssyncadd.s32 @!p0 s1  }
0x63: {  	[bflag:$0x3] =	sbarrier.arrive $0xFFFF  }
0x64: {  	_ =	shalt  }

</sc_bundles>
